<compile_context>
chip_gen: v7x
topology: tpu7x:2x2x1
jax: 0.10.2.dev20260603
libtpu: 0.0.44.dev20260713+nightly
codegen_flags: <defaults>
</compile_context>

<pallas_src>
import functools

import jax
import jax.numpy as jnp
from jax import lax
from jax.experimental import pallas as pl
from jax.experimental.pallas import tpu as pltpu
from jax.experimental.pallas import tpu_sc as plsc

_LOG2 = 0.6931471805599453
_CUTOFF = 5.0

_NC = 2
_NS = 16
_NW = _NC * _NS


def _ssp(v):
    av = jnp.abs(v)
    return jnp.maximum(v, 0.0) + (jnp.log(1.0 + jnp.exp(-av)) - _LOG2)


def _in2f_body(x_ref, w_ref, y_ref):
    y_ref[...] = jnp.dot(x_ref[...], w_ref[...],
                         preferred_element_type=jnp.float32)


def _in2f(x2d, Win):
    M, D = x2d.shape
    F = Win.shape[1]
    T = 1000
    return pl.pallas_call(
        _in2f_body,
        grid=(M // T,),
        in_specs=[
            pl.BlockSpec((T, D), lambda i: (i, 0)),
            pl.BlockSpec((D, F), lambda i: (0, 0)),
        ],
        out_specs=pl.BlockSpec((T, F), lambda i: (i, 0)),
        out_shape=jax.ShapeDtypeStruct((M, F), jnp.float32),
    )(x2d, Win)


def _sc_gather(table, idx3d):
    NW, NCH, CH = idx3d.shape
    F = table.shape[1]
    mesh = plsc.VectorSubcoreMesh(core_axis_name="c", subcore_axis_name="s",
                                  num_cores=_NC, num_subcores=_NS)

    @functools.partial(
        pl.kernel,
        out_type=jax.ShapeDtypeStruct((NW, NCH * CH, F), table.dtype),
        mesh=mesh,
        scratch_types=[
            pltpu.VMEM((2, CH), jnp.int32),
            pltpu.VMEM((2, CH, F), table.dtype),
            pltpu.SemaphoreType.DMA,
            pltpu.SemaphoreType.DMA,
        ],
    )
    def k(table_hbm, idx_hbm, out_hbm, idx_v, rows_v, gsem, ssem):
        w = lax.axis_index("s") * _NC + lax.axis_index("c")

        pltpu.sync_copy(idx_hbm.at[w, 0], idx_v.at[0])
        pltpu.async_copy(table_hbm.at[idx_v.at[0]], rows_v.at[0], gsem)

        def body(j, _):
            s = lax.rem(j, 2)
            o = lax.rem(j + 1, 2)

            @pl.when(j + 1 < NCH)
            def _():
                @pl.when(j >= 1)
                def _():
                    pltpu.make_async_copy(rows_v.at[o], out_hbm.at[w, pl.ds((j - 1) * CH, CH)],
                                          ssem).wait()
                pltpu.sync_copy(idx_hbm.at[w, j + 1], idx_v.at[o])
                pltpu.async_copy(table_hbm.at[idx_v.at[o]], rows_v.at[o],
                                 gsem)

            pltpu.make_async_copy(table_hbm.at[idx_v.at[s]], rows_v.at[s],
                                  gsem).wait()
            pltpu.async_copy(rows_v.at[s], out_hbm.at[w, pl.ds(j * CH, CH)], ssem)
            return 0

        lax.fori_loop(0, NCH, body, 0, unroll=False)
        if NCH >= 2:
            pltpu.make_async_copy(rows_v.at[lax.rem(NCH - 2, 2)],
                                  out_hbm.at[w, pl.ds((NCH - 2) * CH, CH)], ssem).wait()
        pltpu.make_async_copy(rows_v.at[lax.rem(NCH - 1, 2)],
                              out_hbm.at[w, pl.ds((NCH - 1) * CH, CH)], ssem).wait()

    return k(table, idx3d)


def _fused_body(f_ref, r_ref, m_ref, g_ref, w1_ref, b1_ref, w2_ref, b2_ref,
                wf_ref, bf_ref, wd_ref, bd_ref, o_ref, *, TN, NBR, S, F):
    f = f_ref[...].reshape(S, NBR * TN)
    h = _ssp(lax.dot_general(f, w1_ref[...], (((0,), (0,)), ((), ())),
                             preferred_element_type=jnp.float32)
             + b1_ref[...])
    w = jnp.dot(h, w2_ref[...], preferred_element_type=jnp.float32) \
        + b2_ref[...]
    r = r_ref[...].reshape(NBR, TN)
    c = 0.5 * (jnp.cos(r * (jnp.pi / _CUTOFF)) + 1.0)
    c = c * (r < _CUTOFF).astype(jnp.float32) * m_ref[...].reshape(NBR, TN)
    w3 = w.reshape(NBR, TN, F) * c[..., None]
    agg = jnp.sum(w3 * g_ref[...].reshape(NBR, TN, F), axis=0)
    a = _ssp(jnp.dot(agg, wf_ref[...], preferred_element_type=jnp.float32)
             + bf_ref[...])
    o_ref[...] = (jnp.dot(a, wd_ref[...], preferred_element_type=jnp.float32)
                  + bd_ref[...]).reshape(1, TN, F)


def _fused(fT, rT, mT, g4, W1, b1, W2, b2, Wf, bf, Wd, bd):
    B, S, NBR, N = fT.shape
    F = W2.shape[1]
    A = Wd.shape[1]
    TN = 128
    NT = pl.cdiv(N, TN)
    body = functools.partial(_fused_body, TN=TN, NBR=NBR, S=S, F=F)
    full = lambda b, t: (0, 0)
    return pl.pallas_call(
        body,
        grid=(B, NT),
        in_specs=[
            pl.BlockSpec((1, S, NBR, TN), lambda b, t: (b, 0, 0, t)),
            pl.BlockSpec((1, NBR, TN), lambda b, t: (b, 0, t)),
            pl.BlockSpec((1, NBR, TN), lambda b, t: (b, 0, t)),
            pl.BlockSpec((NBR, 1, TN, F), lambda b, t: (0, b, t, 0)),
            pl.BlockSpec((S, F), full),
            pl.BlockSpec((1, F), full),
            pl.BlockSpec((F, F), full),
            pl.BlockSpec((1, F), full),
            pl.BlockSpec((F, A), full),
            pl.BlockSpec((1, A), full),
            pl.BlockSpec((A, A), full),
            pl.BlockSpec((1, A), full),
        ],
        out_specs=pl.BlockSpec((1, TN, A), lambda b, t: (b, t, 0)),
        out_shape=jax.ShapeDtypeStruct((B, N, A), jnp.float32),
    )(fT, rT, mT, g4, W1, b1.reshape(1, -1), W2, b2.reshape(1, -1),
      Wf, bf.reshape(1, -1), Wd, bd.reshape(1, -1))


def kernel(x, r_ij, neighbors, neighbor_mask, f_ij, W1, b1, W2, b2, Win,
           Wf, bf, Wd, bd):
    B, N, NBR = neighbors.shape
    D = x.shape[-1]
    S = f_ij.shape[-1]
    M = B * N

    y = _in2f(x.reshape(M, D), Win)

    idxT = (neighbors.transpose(2, 0, 1)
            + (jnp.arange(B, dtype=jnp.int32) * N)[None, :, None])

    per_w = B * N * NBR // _NW
    CH = 80
    idx3d = idxT.reshape(_NW, per_w // CH, CH)

    g4 = _sc_gather(y, idx3d).reshape(NBR, B, N, -1)

    return _fused(f_ij.transpose(0, 3, 2, 1), r_ij.transpose(0, 2, 1),
                  neighbor_mask.transpose(0, 2, 1), g4,
                  W1, b1, W2, b2, Wf, bf, Wd, bd)

# --- scband reference (transcript-rebuilt; emitter-appended) ---
"""Pipeline reference for scband-sch-net-cutoff-interaction-16234976379044 (READ-ONLY COPY).

The authoritative reference and input builder live on the scoring server;
editing this copy changes nothing except your own understanding.
"""

import jax, jax.numpy as jnp
import numpy as np


def shifted_softplus(x):
    return jax.nn.softplus(x) - jnp.log(2.0)


def setup_inputs(seed: int = 0) -> dict:
    key = jax.random.key(seed)
    ks = jax.random.split(key, 12)
    B, N, NBR = 4, 2500, 32
    n_atom_basis, n_spatial_basis, n_filters = 128, 25, 128
    s = 0.05
    inp = {}
    inp["x"] = jax.random.normal(ks[0], (B, N, n_atom_basis), dtype=jnp.float32)
    inp["r_ij"] = jax.random.uniform(ks[1], (B, N, NBR), dtype=jnp.float32)
    inp["neighbors"] = jax.random.randint(ks[2], (B, N, NBR), 0, N, dtype=jnp.int64 if jax.config.jax_enable_x64 else jnp.int32).astype(jnp.int32)
    inp["neighbor_mask"] = jnp.ones((B, N, NBR), dtype=jnp.float32)
    inp["f_ij"] = jax.random.uniform(ks[3], (B, N, NBR, n_spatial_basis), dtype=jnp.float32)
    # filter_network: Dense(n_spatial_basis -> n_filters, shifted_softplus) then Dense(n_filters -> n_filters)
    inp["W1"] = jax.random.normal(ks[4], (n_spatial_basis, n_filters), dtype=jnp.float32) * s
    inp["b1"] = jnp.zeros((n_filters,), dtype=jnp.float32)
    inp["W2"] = jax.random.normal(ks[5], (n_filters, n_filters), dtype=jnp.float32) * s
    inp["b2"] = jnp.zeros((n_filters,), dtype=jnp.float32)
    # cfconv.in2f: Dense(n_atom_basis -> n_filters, bias=False)
    inp["Win"] = jax.random.normal(ks[6], (n_atom_basis, n_filters), dtype=jnp.float32) * s
    # cfconv.f2out: Dense(n_filters -> n_atom_basis, shifted_softplus)
    inp["Wf"] = jax.random.normal(ks[7], (n_filters, n_atom_basis), dtype=jnp.float32) * s
    inp["bf"] = jnp.zeros((n_atom_basis,), dtype=jnp.float32)
    # final dense: Dense(n_atom_basis -> n_atom_basis)
    inp["Wd"] = jax.random.normal(ks[8], (n_atom_basis, n_atom_basis), dtype=jnp.float32) * s
    inp["bd"] = jnp.zeros((n_atom_basis,), dtype=jnp.float32)
    return inp


def reference(x, r_ij, neighbors, neighbor_mask, f_ij, W1, b1, W2, b2, Win, Wf, bf, Wd, bd):
    cutoff = 5.0
    # filter-generating network on expanded distances
    W = shifted_softplus(f_ij @ W1 + b1) @ W2 + b2  # [B,N,NBR,F]
    # cosine cutoff
    C = 0.5 * (jnp.cos(r_ij * jnp.pi / cutoff) + 1.0)
    C = C * (r_ij < cutoff).astype(r_ij.dtype)
    W = W * C[..., None]
    # in2f (no bias), then gather neighbor features
    y = x @ Win  # [B,N,F]
    B, N, NBR = neighbors.shape
    nbh = neighbors.reshape(B, N * NBR)[..., None]  # [B, N*NBR, 1]
    y = jnp.take_along_axis(y, nbh, axis=1).reshape(B, N, NBR, -1)
    # continuous-filter convolution + masked sum aggregation over neighbors
    y = y * W
    y = (y * neighbor_mask[..., None]).sum(axis=2)  # [B,N,F]
    # f2out with shifted softplus activation
    y = shifted_softplus(y @ Wf + bf)
    # final atom-wise dense (no activation)
    v = y @ Wd + bd
    return v


if False:  # reference __main__ guard neutralized (emitter)
    out = reference(**setup_inputs())
    print(out.shape, out.dtype)

if __name__ == "__main__":
    import jax
    _d = setup_inputs()
    print(jax.jit(kernel)(*tuple(_d.values())))

</pallas_src>

<mosaic_0001>
#map = affine_map<(d0, d1) -> (0, 0)>
#map1 = affine_map<(d0, d1) -> (0, 0, 0)>
module attributes {stable_mosaic.version = 14 : i64} {
  func.func @k(%arg0: i32, %arg1: i32, %arg2: memref<10000x128xf32, #tpu.memory_space<hbm>>, %arg3: memref<32x125x80xi32, #tpu.memory_space<hbm>>, %arg4: memref<32x10000x128xf32, #tpu.memory_space<hbm>>, %arg5: memref<2x80xi32, #tpu.memory_space<vmem>>, %arg6: memref<2x80x128xf32, #tpu.memory_space<vmem>>, %arg7: memref<!tpu.dma_semaphore, #tpu.memory_space<semaphore_mem>>, %arg8: memref<!tpu.dma_semaphore, #tpu.memory_space<semaphore_mem>>) attributes {dimension_semantics = [#tpu.dimension_semantics<core_parallel>, #tpu.dimension_semantics<subcore_parallel>], iteration_bounds = array<i64: 2, 16>, scalar_prefetch = 0 : i64, scratch_operands = 4 : i64, tpu.core_type = #tpu.core_type<sc_vector_subcore>, window_params = [{transform_indices = #map}, {transform_indices = #map1}, {transform_indices = #map1}]} {
    %mul3A = arith.constant 2 : i32
    %mul3A_0 = arith.muli %arg1, %mul3A : i32
    %add3A = arith.addi %mul3A_0, %arg0 : i32
    %run_scoped3A = arith.constant 0 : i32
    %run_scoped3A_1 = arith.constant 0 : i32
    "tpu.region"() ({
      %run_scoped3A_55 = tpu.sem_alloc : memref<!tpu.dma_semaphore, #tpu.memory_space<semaphore_mem>>
      %dma_start3A_56 = arith.constant 0 : i32
      %dma_start3A_57 = tpu.memref_slice %arg5[%run_scoped3A_1, %dma_start3A_56] : memref<2x80xi32, #tpu.memory_space<vmem>> -> memref<1x80xi32, #tpu.memory_space<vmem>>
      %dma_start3A_58 = tpu.memref_squeeze %dma_start3A_57 : memref<1x80xi32, #tpu.memory_space<vmem>> -> memref<80xi32, #tpu.memory_space<vmem>>
      %dma_start3A_59 = arith.constant 0 : i32
      %dma_start3A_60 = tpu.memref_slice %arg3[%add3A, %run_scoped3A, %dma_start3A_59] : memref<32x125x80xi32, #tpu.memory_space<hbm>> -> memref<1x1x80xi32, #tpu.memory_space<hbm>>
      %dma_start3A_61 = tpu.memref_squeeze %dma_start3A_60 : memref<1x1x80xi32, #tpu.memory_space<hbm>> -> memref<80xi32, #tpu.memory_space<hbm>>
      %dma_start3A_62 = arith.constant 0 : i32
      %dma_start3A_63 = tpu.memref_slice %arg5[%run_scoped3A_1, %dma_start3A_62] : memref<2x80xi32, #tpu.memory_space<vmem>> -> memref<1x80xi32, #tpu.memory_space<vmem>>
      %dma_start3A_64 = tpu.memref_squeeze %dma_start3A_63 : memref<1x80xi32, #tpu.memory_space<vmem>> -> memref<80xi32, #tpu.memory_space<vmem>>
      %dma_start3A_65 = arith.constant 0 : i32
      %dma_start3A_66 = tpu.memref_slice %arg3[%add3A, %run_scoped3A, %dma_start3A_65] : memref<32x125x80xi32, #tpu.memory_space<hbm>> -> memref<1x1x80xi32, #tpu.memory_space<hbm>>
      %dma_start3A_67 = tpu.memref_squeeze %dma_start3A_66 : memref<1x1x80xi32, #tpu.memory_space<hbm>> -> memref<80xi32, #tpu.memory_space<hbm>>
      tpu.enqueue_dma source(%dma_start3A_67 : memref<80xi32, #tpu.memory_space<hbm>>) target(%dma_start3A_64 : memref<80xi32, #tpu.memory_space<vmem>>) target_semaphore(%run_scoped3A_55 : memref<!tpu.dma_semaphore, #tpu.memory_space<semaphore_mem>>)
      %dma_wait3A_68 = arith.constant 0 : i32
      %dma_wait3A_69 = tpu.memref_slice %arg5[%run_scoped3A_1, %dma_wait3A_68] : memref<2x80xi32, #tpu.memory_space<vmem>> -> memref<1x80xi32, #tpu.memory_space<vmem>>
      %dma_wait3A_70 = tpu.memref_squeeze %dma_wait3A_69 : memref<1x80xi32, #tpu.memory_space<vmem>> -> memref<80xi32, #tpu.memory_space<vmem>>
      %dma_wait3A_71 = arith.constant 0 : i32
      %dma_wait3A_72 = tpu.memref_slice %arg3[%add3A, %run_scoped3A, %dma_wait3A_71] : memref<32x125x80xi32, #tpu.memory_space<hbm>> -> memref<1x1x80xi32, #tpu.memory_space<hbm>>
      %dma_wait3A_73 = tpu.memref_squeeze %dma_wait3A_72 : memref<1x1x80xi32, #tpu.memory_space<hbm>> -> memref<80xi32, #tpu.memory_space<hbm>>
      %dma_wait3A_74 = arith.constant 0 : i32
      %dma_wait3A_75 = tpu.memref_slice %arg5[%run_scoped3A_1, %dma_wait3A_74] : memref<2x80xi32, #tpu.memory_space<vmem>> -> memref<1x80xi32, #tpu.memory_space<vmem>>
      %dma_wait3A_76 = tpu.memref_squeeze %dma_wait3A_75 : memref<1x80xi32, #tpu.memory_space<vmem>> -> memref<80xi32, #tpu.memory_space<vmem>>
      %dma_wait3A_77 = arith.constant 0 : i32
      %dma_wait3A_78 = tpu.memref_slice %arg3[%add3A, %run_scoped3A, %dma_wait3A_77] : memref<32x125x80xi32, #tpu.memory_space<hbm>> -> memref<1x1x80xi32, #tpu.memory_space<hbm>>
      %dma_wait3A_79 = tpu.memref_squeeze %dma_wait3A_78 : memref<1x1x80xi32, #tpu.memory_space<hbm>> -> memref<80xi32, #tpu.memory_space<hbm>>
      tpu.wait_dma2 semaphore(%run_scoped3A_55 : memref<!tpu.dma_semaphore, #tpu.memory_space<semaphore_mem>>) src(%dma_wait3A_79 : memref<80xi32, #tpu.memory_space<hbm>>) dst(%dma_wait3A_76 : memref<80xi32, #tpu.memory_space<vmem>>)
      tpu.yield
    }) : () -> ()
    %dma_start3A = arith.constant 0 : i32
    %dma_start3A_2 = arith.constant 0 : i32
    %dma_start3A_3 = arith.constant 0 : i32
    %dma_start3A_4 = arith.constant 0 : i32
    %dma_start3A_5 = tpu.memref_slice %arg6[%dma_start3A_2, %dma_start3A_3, %dma_start3A_4] : memref<2x80x128xf32, #tpu.memory_space<vmem>> -> memref<1x80x128xf32, #tpu.memory_space<vmem>>
    %dma_start3A_6 = tpu.memref_squeeze %dma_start3A_5 : memref<1x80x128xf32, #tpu.memory_space<vmem>> -> memref<80x128xf32, #tpu.memory_space<vmem>>
    %dma_start3A_7 = arith.constant 0 : i32
    %dma_start3A_8 = tpu.memref_slice %arg5[%dma_start3A, %dma_start3A_7] : memref<2x80xi32, #tpu.memory_space<vmem>> -> memref<1x80xi32, #tpu.memory_space<vmem>>
    %dma_start3A_9 = tpu.memref_squeeze %dma_start3A_8 : memref<1x80xi32, #tpu.memory_space<vmem>> -> memref<80xi32, #tpu.memory_space<vmem>>
    %dma_start3A_10 = arith.constant 0 : i32
    %dma_start3A_11 = arith.constant 0 : i32
    %dma_start3A_12 = tpu.memref_slice %arg2[%dma_start3A_10, %dma_start3A_11] : memref<10000x128xf32, #tpu.memory_space<hbm>> -> memref<10000x128xf32, #tpu.memory_space<hbm>>
    tpu.enqueue_indirect_dma source(%dma_start3A_12 : memref<10000x128xf32, #tpu.memory_space<hbm>>) target(%dma_start3A_6 : memref<80x128xf32, #tpu.memory_space<vmem>>) offsets(%dma_start3A_9 : memref<80xi32, #tpu.memory_space<vmem>>) semaphore(%arg7 : memref<!tpu.dma_semaphore, #tpu.memory_space<semaphore_mem>>)
    %scan3A = arith.constant 0 : i32
    %scan3A_13 = arith.constant 0 : i32
    %scan3A_14 = arith.constant 125 : i32
    %scan3A_15 = arith.addi %scan3A_13, %scan3A_14 : i32
    %scan3A_16 = arith.constant 1 : i32
    %scan3A_17 = scf.for %scan3A_55 = %scan3A_13 to %scan3A_15 step %scan3A_16 iter_args(%scan3A_56 = %scan3A) -> (i32)  : i32 {
      %rem3A_57 = arith.constant 2 : i32
      %rem3A_58 = arith.remsi %scan3A_55, %rem3A_57 : i32
      %add3A_59 = arith.constant 1 : i32
      %add3A_60 = arith.addi %scan3A_55, %add3A_59 : i32
      %rem3A_61 = arith.constant 2 : i32
      %rem3A_62 = arith.remsi %add3A_60, %rem3A_61 : i32
      %add3A_63 = arith.constant 1 : i32
      %add3A_64 = arith.addi %scan3A_55, %add3A_63 : i32
      %lt3A = arith.constant 125 : i32
      %lt3A_65 = arith.cmpi slt, %add3A_64, %lt3A : i32
      %convert_element_type3A = arith.extui %lt3A_65 : i1 to i32
      %cond3A = arith.constant 0 : i32
      %cond3A_66 = arith.cmpi ne, %convert_element_type3A, %cond3A : i32
      scf.if %cond3A_66 {
        %ge3A = arith.constant 1 : i32
        %ge3A_94 = arith.cmpi sge, %scan3A_55, %ge3A : i32
        %convert_element_type3A_95 = arith.extui %ge3A_94 : i1 to i32
        %cond3A_96 = arith.constant 0 : i32
        %cond3A_97 = arith.cmpi ne, %convert_element_type3A_95, %cond3A_96 : i32
        scf.if %cond3A_97 {
          %sub3A = arith.constant 1 : i32
          %sub3A_110 = arith.subi %scan3A_55, %sub3A : i32
          %mul3A_111 = arith.constant 80 : i32
          %mul3A_112 = arith.muli %sub3A_110, %mul3A_111 : i32
          %dma_wait3A_113 = arith.constant 0 : i32
          %dma_wait3A_114 = arith.constant 0 : i32
          %dma_wait3A_115 = tpu.memref_slice %arg6[%rem3A_62, %dma_wait3A_113, %dma_wait3A_114] : memref<2x80x128xf32, #tpu.memory_space<vmem>> -> memref<1x80x128xf32, #tpu.memory_space<vmem>>
          %dma_wait3A_116 = tpu.memref_squeeze %dma_wait3A_115 : memref<1x80x128xf32, #tpu.memory_space<vmem>> -> memref<80x128xf32, #tpu.memory_space<vmem>>
          %dma_wait3A_117 = arith.constant 0 : i32
          %dma_wait3A_118 = tpu.memref_slice %arg4[%add3A, %mul3A_112, %dma_wait3A_117] : memref<32x10000x128xf32, #tpu.memory_space<hbm>> -> memref<1x80x128xf32, #tpu.memory_space<hbm>>
          %dma_wait3A_119 = tpu.memref_squeeze %dma_wait3A_118 : memref<1x80x128xf32, #tpu.memory_space<hbm>> -> memref<80x128xf32, #tpu.memory_space<hbm>>
          %dma_wait3A_120 = arith.constant 0 : i32
          %dma_wait3A_121 = tpu.memref_slice %arg4[%add3A, %mul3A_112, %dma_wait3A_120] : memref<32x10000x128xf32, #tpu.memory_space<hbm>> -> memref<1x80x128xf32, #tpu.memory_space<hbm>>
          %dma_wait3A_122 = tpu.memref_squeeze %dma_wait3A_121 : memref<1x80x128xf32, #tpu.memory_space<hbm>> -> memref<80x128xf32, #tpu.memory_space<hbm>>
          %dma_wait3A_123 = arith.constant 0 : i32
          %dma_wait3A_124 = arith.constant 0 : i32
          %dma_wait3A_125 = tpu.memref_slice %arg6[%rem3A_62, %dma_wait3A_123, %dma_wait3A_124] : memref<2x80x128xf32, #tpu.memory_space<vmem>> -> memref<1x80x128xf32, #tpu.memory_space<vmem>>
          %dma_wait3A_126 = tpu.memref_squeeze %dma_wait3A_125 : memref<1x80x128xf32, #tpu.memory_space<vmem>> -> memref<80x128xf32, #tpu.memory_space<vmem>>
          tpu.wait_dma2 semaphore(%arg8 : memref<!tpu.dma_semaphore, #tpu.memory_space<semaphore_mem>>) src(%dma_wait3A_126 : memref<80x128xf32, #tpu.memory_space<vmem>>) dst(%dma_wait3A_122 : memref<80x128xf32, #tpu.memory_space<hbm>>)
        } else {
        }
        %add3A_98 = arith.constant 1 : i32
        %add3A_99 = arith.addi %scan3A_55, %add3A_98 : i32
        "tpu.region"() ({
          %run_scoped3A_110 = tpu.sem_alloc : memref<!tpu.dma_semaphore, #tpu.memory_space<semaphore_mem>>
          %dma_start3A_111 = arith.constant 0 : i32
          %dma_start3A_112 = tpu.memref_slice %arg5[%rem3A_62, %dma_start3A_111] : memref<2x80xi32, #tpu.memory_space<vmem>> -> memref<1x80xi32, #tpu.memory_space<vmem>>
          %dma_start3A_113 = tpu.memref_squeeze %dma_start3A_112 : memref<1x80xi32, #tpu.memory_space<vmem>> -> memref<80xi32, #tpu.memory_space<vmem>>
          %dma_start3A_114 = arith.constant 0 : i32
          %dma_start3A_115 = tpu.memref_slice %arg3[%add3A, %add3A_99, %dma_start3A_114] : memref<32x125x80xi32, #tpu.memory_space<hbm>> -> memref<1x1x80xi32, #tpu.memory_space<hbm>>
          %dma_start3A_116 = tpu.memref_squeeze %dma_start3A_115 : memref<1x1x80xi32, #tpu.memory_space<hbm>> -> memref<80xi32, #tpu.memory_space<hbm>>
          %dma_start3A_117 = arith.constant 0 : i32
          %dma_start3A_118 = tpu.memref_slice %arg5[%rem3A_62, %dma_start3A_117] : memref<2x80xi32, #tpu.memory_space<vmem>> -> memref<1x80xi32, #tpu.memory_space<vmem>>
          %dma_start3A_119 = tpu.memref_squeeze %dma_start3A_118 : memref<1x80xi32, #tpu.memory_space<vmem>> -> memref<80xi32, #tpu.memory_space<vmem>>
          %dma_start3A_120 = arith.constant 0 : i32
          %dma_start3A_121 = tpu.memref_slice %arg3[%add3A, %add3A_99, %dma_start3A_120] : memref<32x125x80xi32, #tpu.memory_space<hbm>> -> memref<1x1x80xi32, #tpu.memory_space<hbm>>
          %dma_start3A_122 = tpu.memref_squeeze %dma_start3A_121 : memref<1x1x80xi32, #tpu.memory_space<hbm>> -> memref<80xi32, #tpu.memory_space<hbm>>
          tpu.enqueue_dma source(%dma_start3A_122 : memref<80xi32, #tpu.memory_space<hbm>>) target(%dma_start3A_119 : memref<80xi32, #tpu.memory_space<vmem>>) target_semaphore(%run_scoped3A_110 : memref<!tpu.dma_semaphore, #tpu.memory_space<semaphore_mem>>)
          %dma_wait3A_123 = arith.constant 0 : i32
          %dma_wait3A_124 = tpu.memref_slice %arg5[%rem3A_62, %dma_wait3A_123] : memref<2x80xi32, #tpu.memory_space<vmem>> -> memref<1x80xi32, #tpu.memory_space<vmem>>
          %dma_wait3A_125 = tpu.memref_squeeze %dma_wait3A_124 : memref<1x80xi32, #tpu.memory_space<vmem>> -> memref<80xi32, #tpu.memory_space<vmem>>
          %dma_wait3A_126 = arith.constant 0 : i32
          %dma_wait3A_127 = tpu.memref_slice %arg3[%add3A, %add3A_99, %dma_wait3A_126] : memref<32x125x80xi32, #tpu.memory_space<hbm>> -> memref<1x1x80xi32, #tpu.memory_space<hbm>>
          %dma_wait3A_128 = tpu.memref_squeeze %dma_wait3A_127 : memref<1x1x80xi32, #tpu.memory_space<hbm>> -> memref<80xi32, #tpu.memory_space<hbm>>
          %dma_wait3A_129 = arith.constant 0 : i32
          %dma_wait3A_130 = tpu.memref_slice %arg5[%rem3A_62, %dma_wait3A_129] : memref<2x80xi32, #tpu.memory_space<vmem>> -> memref<1x80xi32, #tpu.memory_space<vmem>>
          %dma_wait3A_131 = tpu.memref_squeeze %dma_wait3A_130 : memref<1x80xi32, #tpu.memory_space<vmem>> -> memref<80xi32, #tpu.memory_space<vmem>>
          %dma_wait3A_132 = arith.constant 0 : i32
          %dma_wait3A_133 = tpu.memref_slice %arg3[%add3A, %add3A_99, %dma_wait3A_132] : memref<32x125x80xi32, #tpu.memory_space<hbm>> -> memref<1x1x80xi32, #tpu.memory_space<hbm>>
          %dma_wait3A_134 = tpu.memref_squeeze %dma_wait3A_133 : memref<1x1x80xi32, #tpu.memory_space<hbm>> -> memref<80xi32, #tpu.memory_space<hbm>>
          tpu.wait_dma2 semaphore(%run_scoped3A_110 : memref<!tpu.dma_semaphore, #tpu.memory_space<semaphore_mem>>) src(%dma_wait3A_134 : memref<80xi32, #tpu.memory_space<hbm>>) dst(%dma_wait3A_131 : memref<80xi32, #tpu.memory_space<vmem>>)
          tpu.yield
        }) : () -> ()
        %dma_start3A_100 = arith.constant 0 : i32
        %dma_start3A_101 = arith.constant 0 : i32
        %dma_start3A_102 = tpu.memref_slice %arg6[%rem3A_62, %dma_start3A_100, %dma_start3A_101] : memref<2x80x128xf32, #tpu.memory_space<vmem>> -> memref<1x80x128xf32, #tpu.memory_space<vmem>>
        %dma_start3A_103 = tpu.memref_squeeze %dma_start3A_102 : memref<1x80x128xf32, #tpu.memory_space<vmem>> -> memref<80x128xf32, #tpu.memory_space<vmem>>
        %dma_start3A_104 = arith.constant 0 : i32
        %dma_start3A_105 = tpu.memref_slice %arg5[%rem3A_62, %dma_start3A_104] : memref<2x80xi32, #tpu.memory_space<vmem>> -> memref<1x80xi32, #tpu.memory_space<vmem>>
        %dma_start3A_106 = tpu.memref_squeeze %dma_start3A_105 : memref<1x80xi32, #tpu.memory_space<vmem>> -> memref<80xi32, #tpu.memory_space<vmem>>
        %dma_start3A_107 = arith.constant 0 : i32
        %dma_start3A_108 = arith.constant 0 : i32
        %dma_start3A_109 = tpu.memref_slice %arg2[%dma_start3A_107, %dma_start3A_108] : memref<10000x128xf32, #tpu.memory_space<hbm>> -> memref<10000x128xf32, #tpu.memory_space<hbm>>
        tpu.enqueue_indirect_dma source(%dma_start3A_109 : memref<10000x128xf32, #tpu.memory_space<hbm>>) target(%dma_start3A_103 : memref<80x128xf32, #tpu.memory_space<vmem>>) offsets(%dma_start3A_106 : memref<80xi32, #tpu.memory_space<vmem>>) semaphore(%arg7 : memref<!tpu.dma_semaphore, #tpu.memory_space<semaphore_mem>>)
      } else {
      }
      %dma_wait3A_67 = arith.constant 0 : i32
      %dma_wait3A_68 = arith.constant 0 : i32
      %dma_wait3A_69 = tpu.memref_slice %arg6[%rem3A_58, %dma_wait3A_67, %dma_wait3A_68] : memref<2x80x128xf32, #tpu.memory_space<vmem>> -> memref<1x80x128xf32, #tpu.memory_space<vmem>>
      %dma_wait3A_70 = tpu.memref_squeeze %dma_wait3A_69 : memref<1x80x128xf32, #tpu.memory_space<vmem>> -> memref<80x128xf32, #tpu.memory_space<vmem>>
      %dma_wait3A_71 = arith.constant 0 : i32
      %dma_wait3A_72 = tpu.memref_slice %arg5[%rem3A_58, %dma_wait3A_71] : memref<2x80xi32, #tpu.memory_space<vmem>> -> memref<1x80xi32, #tpu.memory_space<vmem>>
      %dma_wait3A_73 = tpu.memref_squeeze %dma_wait3A_72 : memref<1x80xi32, #tpu.memory_space<vmem>> -> memref<80xi32, #tpu.memory_space<vmem>>
      %dma_wait3A_74 = arith.constant 0 : i32
      %dma_wait3A_75 = arith.constant 0 : i32
      %dma_wait3A_76 = tpu.memref_slice %arg2[%dma_wait3A_74, %dma_wait3A_75] : memref<10000x128xf32, #tpu.memory_space<hbm>> -> memref<10000x128xf32, #tpu.memory_space<hbm>>
      tpu.wait_indirect_dma semaphore(%arg7 : memref<!tpu.dma_semaphore, #tpu.memory_space<semaphore_mem>>) src(%dma_wait3A_76 : memref<10000x128xf32, #tpu.memory_space<hbm>>) dst(%dma_wait3A_70 : memref<80x128xf32, #tpu.memory_space<vmem>>)
      %mul3A_77 = arith.constant 80 : i32
      %mul3A_78 = arith.muli %scan3A_55, %mul3A_77 : i32
      %dma_start3A_79 = arith.constant 0 : i32
      %dma_start3A_80 = arith.constant 0 : i32
      %dma_start3A_81 = tpu.memref_slice %arg6[%rem3A_58, %dma_start3A_79, %dma_start3A_80] : memref<2x80x128xf32, #tpu.memory_space<vmem>> -> memref<1x80x128xf32, #tpu.memory_space<vmem>>
      %dma_start3A_82 = tpu.memref_squeeze %dma_start3A_81 : memref<1x80x128xf32, #tpu.memory_space<vmem>> -> memref<80x128xf32, #tpu.memory_space<vmem>>
      %dma_start3A_83 = arith.constant 0 : i32
      %dma_start3A_84 = tpu.memref_slice %arg4[%add3A, %mul3A_78, %dma_start3A_83] : memref<32x10000x128xf32, #tpu.memory_space<hbm>> -> memref<1x80x128xf32, #tpu.memory_space<hbm>>
      %dma_start3A_85 = tpu.memref_squeeze %dma_start3A_84 : memref<1x80x128xf32, #tpu.memory_space<hbm>> -> memref<80x128xf32, #tpu.memory_space<hbm>>
      %dma_start3A_86 = arith.constant 0 : i32
      %dma_start3A_87 = tpu.memref_slice %arg4[%add3A, %mul3A_78, %dma_start3A_86] : memref<32x10000x128xf32, #tpu.memory_space<hbm>> -> memref<1x80x128xf32, #tpu.memory_space<hbm>>
      %dma_start3A_88 = tpu.memref_squeeze %dma_start3A_87 : memref<1x80x128xf32, #tpu.memory_space<hbm>> -> memref<80x128xf32, #tpu.memory_space<hbm>>
      %dma_start3A_89 = arith.constant 0 : i32
      %dma_start3A_90 = arith.constant 0 : i32
      %dma_start3A_91 = tpu.memref_slice %arg6[%rem3A_58, %dma_start3A_89, %dma_start3A_90] : memref<2x80x128xf32, #tpu.memory_space<vmem>> -> memref<1x80x128xf32, #tpu.memory_space<vmem>>
      %dma_start3A_92 = tpu.memref_squeeze %dma_start3A_91 : memref<1x80x128xf32, #tpu.memory_space<vmem>> -> memref<80x128xf32, #tpu.memory_space<vmem>>
      tpu.enqueue_dma source(%dma_start3A_92 : memref<80x128xf32, #tpu.memory_space<vmem>>) target(%dma_start3A_88 : memref<80x128xf32, #tpu.memory_space<hbm>>) target_semaphore(%arg8 : memref<!tpu.dma_semaphore, #tpu.memory_space<semaphore_mem>>)
      %scan3A_93 = arith.constant 0 : i32
      scf.yield %scan3A_93 : i32
    }
    %scan3A_18 = arith.constant 125 : i32
    %rem3A = arith.constant 123 : i32
    %rem3A_19 = arith.constant 2 : i32
    %rem3A_20 = arith.remsi %rem3A, %rem3A_19 : i32
    %dma_wait3A = arith.constant 0 : i32
    %dma_wait3A_21 = arith.constant 0 : i32
    %dma_wait3A_22 = tpu.memref_slice %arg6[%rem3A_20, %dma_wait3A, %dma_wait3A_21] : memref<2x80x128xf32, #tpu.memory_space<vmem>> -> memref<1x80x128xf32, #tpu.memory_space<vmem>>
    %dma_wait3A_23 = tpu.memref_squeeze %dma_wait3A_22 : memref<1x80x128xf32, #tpu.memory_space<vmem>> -> memref<80x128xf32, #tpu.memory_space<vmem>>
    %dma_wait3A_24 = arith.constant 9840 : i32
    %dma_wait3A_25 = arith.constant 0 : i32
    %dma_wait3A_26 = tpu.memref_slice %arg4[%add3A, %dma_wait3A_24, %dma_wait3A_25] : memref<32x10000x128xf32, #tpu.memory_space<hbm>> -> memref<1x80x128xf32, #tpu.memory_space<hbm>>
    %dma_wait3A_27 = tpu.memref_squeeze %dma_wait3A_26 : memref<1x80x128xf32, #tpu.memory_space<hbm>> -> memref<80x128xf32, #tpu.memory_space<hbm>>
    %dma_wait3A_28 = arith.constant 9840 : i32
    %dma_wait3A_29 = arith.constant 0 : i32
    %dma_wait3A_30 = tpu.memref_slice %arg4[%add3A, %dma_wait3A_28, %dma_wait3A_29] : memref<32x10000x128xf32, #tpu.memory_space<hbm>> -> memref<1x80x128xf32, #tpu.memory_space<hbm>>
    %dma_wait3A_31 = tpu.memref_squeeze %dma_wait3A_30 : memref<1x80x128xf32, #tpu.memory_space<hbm>> -> memref<80x128xf32, #tpu.memory_space<hbm>>
    %dma_wait3A_32 = arith.constant 0 : i32
    %dma_wait3A_33 = arith.constant 0 : i32
    %dma_wait3A_34 = tpu.memref_slice %arg6[%rem3A_20, %dma_wait3A_32, %dma_wait3A_33] : memref<2x80x128xf32, #tpu.memory_space<vmem>> -> memref<1x80x128xf32, #tpu.memory_space<vmem>>
    %dma_wait3A_35 = tpu.memref_squeeze %dma_wait3A_34 : memref<1x80x128xf32, #tpu.memory_space<vmem>> -> memref<80x128xf32, #tpu.memory_space<vmem>>
    tpu.wait_dma2 semaphore(%arg8 : memref<!tpu.dma_semaphore, #tpu.memory_space<semaphore_mem>>) src(%dma_wait3A_35 : memref<80x128xf32, #tpu.memory_space<vmem>>) dst(%dma_wait3A_31 : memref<80x128xf32, #tpu.memory_space<hbm>>)
    %rem3A_36 = arith.constant 124 : i32
    %rem3A_37 = arith.constant 2 : i32
    %rem3A_38 = arith.remsi %rem3A_36, %rem3A_37 : i32
    %dma_wait3A_39 = arith.constant 0 : i32
    %dma_wait3A_40 = arith.constant 0 : i32
    %dma_wait3A_41 = tpu.memref_slice %arg6[%rem3A_38, %dma_wait3A_39, %dma_wait3A_40] : memref<2x80x128xf32, #tpu.memory_space<vmem>> -> memref<1x80x128xf32, #tpu.memory_space<vmem>>
    %dma_wait3A_42 = tpu.memref_squeeze %dma_wait3A_41 : memref<1x80x128xf32, #tpu.memory_space<vmem>> -> memref<80x128xf32, #tpu.memory_space<vmem>>
    %dma_wait3A_43 = arith.constant 9920 : i32
    %dma_wait3A_44 = arith.constant 0 : i32
    %dma_wait3A_45 = tpu.memref_slice %arg4[%add3A, %dma_wait3A_43, %dma_wait3A_44] : memref<32x10000x128xf32, #tpu.memory_space<hbm>> -> memref<1x80x128xf32, #tpu.memory_space<hbm>>
    %dma_wait3A_46 = tpu.memref_squeeze %dma_wait3A_45 : memref<1x80x128xf32, #tpu.memory_space<hbm>> -> memref<80x128xf32, #tpu.memory_space<hbm>>
    %dma_wait3A_47 = arith.constant 9920 : i32
    %dma_wait3A_48 = arith.constant 0 : i32
    %dma_wait3A_49 = tpu.memref_slice %arg4[%add3A, %dma_wait3A_47, %dma_wait3A_48] : memref<32x10000x128xf32, #tpu.memory_space<hbm>> -> memref<1x80x128xf32, #tpu.memory_space<hbm>>
    %dma_wait3A_50 = tpu.memref_squeeze %dma_wait3A_49 : memref<1x80x128xf32, #tpu.memory_space<hbm>> -> memref<80x128xf32, #tpu.memory_space<hbm>>
    %dma_wait3A_51 = arith.constant 0 : i32
    %dma_wait3A_52 = arith.constant 0 : i32
    %dma_wait3A_53 = tpu.memref_slice %arg6[%rem3A_38, %dma_wait3A_51, %dma_wait3A_52] : memref<2x80x128xf32, #tpu.memory_space<vmem>> -> memref<1x80x128xf32, #tpu.memory_space<vmem>>
    %dma_wait3A_54 = tpu.memref_squeeze %dma_wait3A_53 : memref<1x80x128xf32, #tpu.memory_space<vmem>> -> memref<80x128xf32, #tpu.memory_space<vmem>>
    tpu.wait_dma2 semaphore(%arg8 : memref<!tpu.dma_semaphore, #tpu.memory_space<semaphore_mem>>) src(%dma_wait3A_54 : memref<80x128xf32, #tpu.memory_space<vmem>>) dst(%dma_wait3A_50 : memref<80x128xf32, #tpu.memory_space<hbm>>)
    return
  }
}

module attributes {stable_mosaic.version = 14 : i64} {
  func.func @_in2f_body(%arg0: i32, %arg1: memref<1000x128xf32, #tpu.memory_space<vmem>>, %arg2: memref<128x128xf32, #tpu.memory_space<vmem>>, %arg3: memref<1000x128xf32, #tpu.memory_space<vmem>>) attributes {dimension_semantics = [#tpu.dimension_semantics<arbitrary>], iteration_bounds = array<i64: 10>, scalar_prefetch = 0 : i64, scratch_operands = 0 : i64, tpu.core_type = #tpu.core_type<tc>, window_params = [{transform_indices = @transform_0, window_bounds = array<i64: 1000, 128>}, {pipeline_mode = #tpu.pipeline_mode<synchronous>, transform_indices = @transform_1, window_bounds = array<i64: 128, 128>}, {transform_indices = @transform_2, window_bounds = array<i64: 1000, 128>}]} {
    %get3A = arith.constant 0 : index
    %get3A_0 = arith.constant 0 : index
    %get3A_1 = vector.load %arg1[%get3A, %get3A_0] : memref<1000x128xf32, #tpu.memory_space<vmem>>, vector<1000x128xf32>
    %get3A_2 = arith.constant 0 : index
    %get3A_3 = arith.constant 0 : index
    %get3A_4 = vector.load %arg2[%get3A_2, %get3A_3] : memref<128x128xf32, #tpu.memory_space<vmem>>, vector<128x128xf32>
    %dot_general3A = arith.constant dense<0.000000e+00> : vector<1000x128xf32>
    %dot_general3A_5 = tpu.matmul %get3A_1, %get3A_4, %dot_general3A {dimension_numbers = #tpu.dot_dimension_numbers<[1], [0], [0], [1], [0, 0, 1, 1], [], []>, transpose_lhs_hint = false} : vector<1000x128xf32>, vector<128x128xf32>, vector<1000x128xf32> -> vector<1000x128xf32>
    %swap3A = arith.constant 0 : index
    %swap3A_6 = arith.constant 0 : index
    %swap3A_7 = vector.load %arg3[%swap3A, %swap3A_6] : memref<1000x128xf32, #tpu.memory_space<vmem>>, vector<1000x128xf32>
    tpu.vector_store %arg3[%swap3A, %swap3A_6], %dot_general3A_5 {strides = array<i32>} : memref<1000x128xf32, #tpu.memory_space<vmem>>, vector<1000x128xf32>,
    return
  }
  func.func @transform_0(%arg0: i32) -> (i32, i32) {
    %c0_i32 = arith.constant 0 : i32
    %c0_i32_0 = arith.constant 0 : i32
    return %arg0, %c0_i32 : i32, i32
  }
  func.func @transform_1(%arg0: i32) -> (i32, i32) {
    %c0_i32 = arith.constant 0 : i32
    %c0_i32_0 = arith.constant 0 : i32
    %c0_i32_1 = arith.constant 0 : i32
    return %c0_i32, %c0_i32_0 : i32, i32
  }
  func.func @transform_2(%arg0: i32) -> (i32, i32) {
    %c0_i32 = arith.constant 0 : i32
    %c0_i32_0 = arith.constant 0 : i32
    return %arg0, %c0_i32 : i32, i32
  }
}

module attributes {stable_mosaic.version = 14 : i64} {
  func.func @_fused_body(%arg0: i32, %arg1: i32, %arg2: memref<1x25x32x128xf32, #tpu.memory_space<vmem>>, %arg3: memref<1x32x128xf32, #tpu.memory_space<vmem>>, %arg4: memref<1x32x128xf32, #tpu.memory_space<vmem>>, %arg5: memref<32x1x128x128xf32, #tpu.memory_space<vmem>>, %arg6: memref<25x128xf32, #tpu.memory_space<vmem>>, %arg7: memref<1x128xf32, #tpu.memory_space<vmem>>, %arg8: memref<128x128xf32, #tpu.memory_space<vmem>>, %arg9: memref<1x128xf32, #tpu.memory_space<vmem>>, %arg10: memref<128x128xf32, #tpu.memory_space<vmem>>, %arg11: memref<1x128xf32, #tpu.memory_space<vmem>>, %arg12: memref<128x128xf32, #tpu.memory_space<vmem>>, %arg13: memref<1x128xf32, #tpu.memory_space<vmem>>, %arg14: memref<1x128x128xf32, #tpu.memory_space<vmem>>) attributes {dimension_semantics = [#tpu.dimension_semantics<arbitrary>, #tpu.dimension_semantics<arbitrary>], iteration_bounds = array<i64: 4, 20>, scalar_prefetch = 0 : i64, scratch_operands = 0 : i64, tpu.core_type = #tpu.core_type<tc>, window_params = [{transform_indices = @transform_0, window_bounds = array<i64: 1, 25, 32, 128>}, {transform_indices = @transform_1, window_bounds = array<i64: 1, 32, 128>}, {transform_indices = @transform_2, window_bounds = array<i64: 1, 32, 128>}, {transform_indices = @transform_3, window_bounds = array<i64: 32, 1, 128, 128>}, {pipeline_mode = #tpu.pipeline_mode<synchronous>, transform_indices = @transform_4, window_bounds = array<i64: 25, 128>}, {pipeline_mode = #tpu.pipeline_mode<synchronous>, transform_indices = @transform_5, window_bounds = array<i64: 1, 128>}, {pipeline_mode = #tpu.pipeline_mode<synchronous>, transform_indices = @transform_6, window_bounds = array<i64: 128, 128>}, {pipeline_mode = #tpu.pipeline_mode<synchronous>, transform_indices = @transform_7, window_bounds = array<i64: 1, 128>}, {pipeline_mode = #tpu.pipeline_mode<synchronous>, transform_indices = @transform_8, window_bounds = array<i64: 128, 128>}, {pipeline_mode = #tpu.pipeline_mode<synchronous>, transform_indices = @transform_9, window_bounds = array<i64: 1, 128>}, {pipeline_mode = #tpu.pipeline_mode<synchronous>, transform_indices = @transform_10, window_bounds = array<i64: 128, 128>}, {pipeline_mode = #tpu.pipeline_mode<synchronous>, transform_indices = @transform_11, window_bounds = array<i64: 1, 128>}, {transform_indices = @transform_12, window_bounds = array<i64: 1, 128, 128>}]} {
    %get3A = arith.constant 0 : index
    %get3A_0 = arith.constant 0 : index
    %get3A_1 = arith.constant 0 : index
    %get3A_2 = arith.constant 0 : index
    %get3A_3 = vector.load %arg2[%get3A, %get3A_0, %get3A_1, %get3A_2] : memref<1x25x32x128xf32, #tpu.memory_space<vmem>>, vector<1x25x32x128xf32>
    %reshape3A = vector.shape_cast %get3A_3 : vector<1x25x32x128xf32> to vector<25x4096xf32>
    %get3A_4 = arith.constant 0 : index
    %get3A_5 = arith.constant 0 : index
    %get3A_6 = vector.load %arg6[%get3A_4, %get3A_5] : memref<25x128xf32, #tpu.memory_space<vmem>>, vector<25x128xf32>
    %dot_general3A = arith.constant dense<0.000000e+00> : vector<4096x128xf32>
    %dot_general3A_7 = tpu.matmul %reshape3A, %get3A_6, %dot_general3A {dimension_numbers = #tpu.dot_dimension_numbers<[0], [0], [1], [1], [0, 1, 1, 1], [], []>, transpose_lhs_hint = false} : vector<25x4096xf32>, vector<25x128xf32>, vector<4096x128xf32> -> vector<4096x128xf32>
    %get3A_8 = arith.constant 0 : index
    %get3A_9 = arith.constant 0 : index
    %get3A_10 = vector.load %arg7[%get3A_8, %get3A_9] : memref<1x128xf32, #tpu.memory_space<vmem>>, vector<1x128xf32>
    %add3A = vector.broadcast %get3A_10 : vector<1x128xf32> to vector<4096x128xf32>
    %add3A_11 = arith.addf %dot_general3A_7, %add3A : vector<4096x128xf32>
    %abs3A = math.absf %add3A_11 : vector<4096x128xf32>
    %max3A = arith.constant 0.000000e+00 : f32
    %max3A_12 = vector.broadcast %max3A : f32 to vector<4096x128xf32>
    %max3A_13 = arith.maximumf %add3A_11, %max3A_12 : vector<4096x128xf32>
    %neg3A = arith.constant 0.000000e+00 : f32
    %neg3A_14 = vector.broadcast %neg3A : f32 to vector<4096x128xf32>
    %neg3A_15 = arith.subf %neg3A_14, %abs3A : vector<4096x128xf32>
    %exp3A = math.exp %neg3A_15 : vector<4096x128xf32>
    %add3A_16 = arith.constant 1.000000e+00 : f32
    %add3A_17 = vector.broadcast %add3A_16 : f32 to vector<4096x128xf32>
    %add3A_18 = arith.addf %add3A_17, %exp3A : vector<4096x128xf32>
    %log3A = math.log %add3A_18 : vector<4096x128xf32>
    %sub3A = arith.constant 0.693147182 : f32
    %sub3A_19 = vector.broadcast %sub3A : f32 to vector<4096x128xf32>
    %sub3A_20 = arith.subf %log3A, %sub3A_19 : vector<4096x128xf32>
    %add3A_21 = arith.addf %max3A_13, %sub3A_20 : vector<4096x128xf32>
    %get3A_22 = arith.constant 0 : index
    %get3A_23 = arith.constant 0 : index
    %get3A_24 = vector.load %arg8[%get3A_22, %get3A_23] : memref<128x128xf32, #tpu.memory_space<vmem>>, vector<128x128xf32>
    %dot_general3A_25 = arith.constant dense<0.000000e+00> : vector<4096x128xf32>
    %dot_general3A_26 = tpu.matmul %add3A_21, %get3A_24, %dot_general3A_25 {dimension_numbers = #tpu.dot_dimension_numbers<[1], [0], [0], [1], [0, 0, 1, 1], [], []>, transpose_lhs_hint = false} : vector<4096x128xf32>, vector<128x128xf32>, vector<4096x128xf32> -> vector<4096x128xf32>
    %get3A_27 = arith.constant 0 : index
    %get3A_28 = arith.constant 0 : index
    %get3A_29 = vector.load %arg9[%get3A_27, %get3A_28] : memref<1x128xf32, #tpu.memory_space<vmem>>, vector<1x128xf32>
    %add3A_30 = vector.broadcast %get3A_29 : vector<1x128xf32> to vector<4096x128xf32>
    %add3A_31 = arith.addf %dot_general3A_26, %add3A_30 : vector<4096x128xf32>
    %get3A_32 = arith.constant 0 : index
    %get3A_33 = arith.constant 0 : index
    %get3A_34 = arith.constant 0 : index
    %get3A_35 = vector.load %arg3[%get3A_32, %get3A_33, %get3A_34] : memref<1x32x128xf32, #tpu.memory_space<vmem>>, vector<1x32x128xf32>
    %reshape3A_36 = vector.shape_cast %get3A_35 : vector<1x32x128xf32> to vector<32x128xf32>
    %mul3A = arith.constant 0.628318548 : f32
    %mul3A_37 = vector.broadcast %mul3A : f32 to vector<32x128xf32>
    %mul3A_38 = arith.mulf %reshape3A_36, %mul3A_37 : vector<32x128xf32>
    %cos3A = math.cos %mul3A_38 : vector<32x128xf32>
    %add3A_39 = arith.constant 1.000000e+00 : f32
    %add3A_40 = vector.broadcast %add3A_39 : f32 to vector<32x128xf32>
    %add3A_41 = arith.addf %cos3A, %add3A_40 : vector<32x128xf32>
    %mul3A_42 = arith.constant 5.000000e-01 : f32
    %mul3A_43 = vector.broadcast %mul3A_42 : f32 to vector<32x128xf32>
    %mul3A_44 = arith.mulf %mul3A_43, %add3A_41 : vector<32x128xf32>
    %lt3A = arith.constant 5.000000e+00 : f32
    %lt3A_45 = vector.broadcast %lt3A : f32 to vector<32x128xf32>
    %lt3A_46 = arith.cmpf olt, %reshape3A_36, %lt3A_45 : vector<32x128xf32>
    %convert_element_type3A = arith.extui %lt3A_46 : vector<32x128xi1> to vector<32x128xi32>
    %convert_element_type3A_47 = arith.sitofp %convert_element_type3A : vector<32x128xi32> to vector<32x128xf32>
    %mul3A_48 = arith.mulf %mul3A_44, %convert_element_type3A_47 : vector<32x128xf32>
    %get3A_49 = arith.constant 0 : index
    %get3A_50 = arith.constant 0 : index
    %get3A_51 = arith.constant 0 : index
    %get3A_52 = vector.load %arg4[%get3A_49, %get3A_50, %get3A_51] : memref<1x32x128xf32, #tpu.memory_space<vmem>>, vector<1x32x128xf32>
    %reshape3A_53 = vector.shape_cast %get3A_52 : vector<1x32x128xf32> to vector<32x128xf32>
    %mul3A_54 = arith.mulf %mul3A_48, %reshape3A_53 : vector<32x128xf32>
    %reshape3A_55 = vector.shape_cast %add3A_31 : vector<4096x128xf32> to vector<32x128x128xf32>
    %broadcast_in_dim3A = vector.shape_cast %mul3A_54 : vector<32x128xf32> to vector<32x128x1xf32>
    %mul3A_56 = vector.broadcast %broadcast_in_dim3A : vector<32x128x1xf32> to vector<32x128x128xf32>
    %mul3A_57 = arith.mulf %reshape3A_55, %mul3A_56 : vector<32x128x128xf32>
    %get3A_58 = arith.constant 0 : index
    %get3A_59 = arith.constant 0 : index
    %get3A_60 = arith.constant 0 : index
    %get3A_61 = arith.constant 0 : index
    %get3A_62 = vector.load %arg5[%get3A_58, %get3A_59, %get3A_60, %get3A_61] : memref<32x1x128x128xf32, #tpu.memory_space<vmem>>, vector<32x1x128x128xf32>
    %reshape3A_63 = vector.shape_cast %get3A_62 : vector<32x1x128x128xf32> to vector<32x128x128xf32>
    %mul3A_64 = arith.mulf %mul3A_57, %reshape3A_63 : vector<32x128x128xf32>
    %reduce_sum3A = arith.constant dense<0.000000e+00> : vector<128x128xf32>
    %reduce_sum3A_65 = vector.multi_reduction <add>, %mul3A_64, %reduce_sum3A [0] : vector<32x128x128xf32> to vector<128x128xf32>
    %get3A_66 = arith.constant 0 : index
    %get3A_67 = arith.constant 0 : index
    %get3A_68 = vector.load %arg10[%get3A_66, %get3A_67] : memref<128x128xf32, #tpu.memory_space<vmem>>, vector<128x128xf32>
    %dot_general3A_69 = arith.constant dense<0.000000e+00> : vector<128x128xf32>
    %dot_general3A_70 = tpu.matmul %reduce_sum3A_65, %get3A_68, %dot_general3A_69 {dimension_numbers = #tpu.dot_dimension_numbers<[1], [0], [0], [1], [0, 0, 1, 1], [], []>, transpose_lhs_hint = false} : vector<128x128xf32>, vector<128x128xf32>, vector<128x128xf32> -> vector<128x128xf32>
    %get3A_71 = arith.constant 0 : index
    %get3A_72 = arith.constant 0 : index
    %get3A_73 = vector.load %arg11[%get3A_71, %get3A_72] : memref<1x128xf32, #tpu.memory_space<vmem>>, vector<1x128xf32>
    %add3A_74 = vector.broadcast %get3A_73 : vector<1x128xf32> to vector<128x128xf32>
    %add3A_75 = arith.addf %dot_general3A_70, %add3A_74 : vector<128x128xf32>
    %abs3A_76 = math.absf %add3A_75 : vector<128x128xf32>
    %max3A_77 = arith.constant 0.000000e+00 : f32
    %max3A_78 = vector.broadcast %max3A_77 : f32 to vector<128x128xf32>
    %max3A_79 = arith.maximumf %add3A_75, %max3A_78 : vector<128x128xf32>
    %neg3A_80 = arith.constant 0.000000e+00 : f32
    %neg3A_81 = vector.broadcast %neg3A_80 : f32 to vector<128x128xf32>
    %neg3A_82 = arith.subf %neg3A_81, %abs3A_76 : vector<128x128xf32>
    %exp3A_83 = math.exp %neg3A_82 : vector<128x128xf32>
    %add3A_84 = arith.constant 1.000000e+00 : f32
    %add3A_85 = vector.broadcast %add3A_84 : f32 to vector<128x128xf32>
    %add3A_86 = arith.addf %add3A_85, %exp3A_83 : vector<128x128xf32>
    %log3A_87 = math.log %add3A_86 : vector<128x128xf32>
    %sub3A_88 = arith.constant 0.693147182 : f32
    %sub3A_89 = vector.broadcast %sub3A_88 : f32 to vector<128x128xf32>
    %sub3A_90 = arith.subf %log3A_87, %sub3A_89 : vector<128x128xf32>
    %add3A_91 = arith.addf %max3A_79, %sub3A_90 : vector<128x128xf32>
    %get3A_92 = arith.constant 0 : index
    %get3A_93 = arith.constant 0 : index
    %get3A_94 = vector.load %arg12[%get3A_92, %get3A_93] : memref<128x128xf32, #tpu.memory_space<vmem>>, vector<128x128xf32>
    %dot_general3A_95 = arith.constant dense<0.000000e+00> : vector<128x128xf32>
    %dot_general3A_96 = tpu.matmul %add3A_91, %get3A_94, %dot_general3A_95 {dimension_numbers = #tpu.dot_dimension_numbers<[1], [0], [0], [1], [0, 0, 1, 1], [], []>, transpose_lhs_hint = false} : vector<128x128xf32>, vector<128x128xf32>, vector<128x128xf32> -> vector<128x128xf32>
    %get3A_97 = arith.constant 0 : index
    %get3A_98 = arith.constant 0 : index
    %get3A_99 = vector.load %arg13[%get3A_97, %get3A_98] : memref<1x128xf32, #tpu.memory_space<vmem>>, vector<1x128xf32>
    %add3A_100 = vector.broadcast %get3A_99 : vector<1x128xf32> to vector<128x128xf32>
    %add3A_101 = arith.addf %dot_general3A_96, %add3A_100 : vector<128x128xf32>
    %reshape3A_102 = vector.shape_cast %add3A_101 : vector<128x128xf32> to vector<1x128x128xf32>
    %swap3A = arith.constant 0 : index
    %swap3A_103 = arith.constant 0 : index
    %swap3A_104 = arith.constant 0 : index
    %swap3A_105 = vector.load %arg14[%swap3A, %swap3A_103, %swap3A_104] : memref<1x128x128xf32, #tpu.memory_space<vmem>>, vector<1x128x128xf32>
    tpu.vector_store %arg14[%swap3A, %swap3A_103, %swap3A_104], %reshape3A_102 {strides = array<i32>} : memref<1x128x128xf32, #tpu.memory_space<vmem>>, vector<1x128x128xf32>,
    return
  }
  func.func @transform_0(%arg0: i32, %arg1: i32) -> (i32, i32, i32, i32) {
    %c0_i32 = arith.constant 0 : i32
    %c0_i32_0 = arith.constant 0 : i32
    %c0_i32_1 = arith.constant 0 : i32
    return %arg0, %c0_i32, %c0_i32_0, %arg1 : i32, i32, i32, i32
  }
  func.func @transform_1(%arg0: i32, %arg1: i32) -> (i32, i32, i32) {
    %c0_i32 = arith.constant 0 : i32
    %c0_i32_0 = arith.constant 0 : i32
    return %arg0, %c0_i32, %arg1 : i32, i32, i32
  }
  func.func @transform_2(%arg0: i32, %arg1: i32) -> (i32, i32, i32) {
    %c0_i32 = arith.constant 0 : i32
    %c0_i32_0 = arith.constant 0 : i32
    return %arg0, %c0_i32, %arg1 : i32, i32, i32
  }
  func.func @transform_3(%arg0: i32, %arg1: i32) -> (i32, i32, i32, i32) {
    %c0_i32 = arith.constant 0 : i32
    %c0_i32_0 = arith.constant 0 : i32
    %c0_i32_1 = arith.constant 0 : i32
    return %c0_i32, %arg0, %arg1, %c0_i32_0 : i32, i32, i32, i32
  }
  func.func @transform_4(%arg0: i32, %arg1: i32) -> (i32, i32) {
    %c0_i32 = arith.constant 0 : i32
    %c0_i32_0 = arith.constant 0 : i32
    %c0_i32_1 = arith.constant 0 : i32
    return %c0_i32, %c0_i32_0 : i32, i32
  }
  func.func @transform_5(%arg0: i32, %arg1: i32) -> (i32, i32) {
    %c0_i32 = arith.constant 0 : i32
    %c0_i32_0 = arith.constant 0 : i32
    %c0_i32_1 = arith.constant 0 : i32
    return %c0_i32, %c0_i32_0 : i32, i32
  }
  func.func @transform_6(%arg0: i32, %arg1: i32) -> (i32, i32) {
    %c0_i32 = arith.constant 0 : i32
    %c0_i32_0 = arith.constant 0 : i32
    %c0_i32_1 = arith.constant 0 : i32
    return %c0_i32, %c0_i32_0 : i32, i32
  }
  func.func @transform_7(%arg0: i32, %arg1: i32) -> (i32, i32) {
    %c0_i32 = arith.constant 0 : i32
    %c0_i32_0 = arith.constant 0 : i32
    %c0_i32_1 = arith.constant 0 : i32
    return %c0_i32, %c0_i32_0 : i32, i32
  }
  func.func @transform_8(%arg0: i32, %arg1: i32) -> (i32, i32) {
    %c0_i32 = arith.constant 0 : i32
    %c0_i32_0 = arith.constant 0 : i32
    %c0_i32_1 = arith.constant 0 : i32
    return %c0_i32, %c0_i32_0 : i32, i32
  }
  func.func @transform_9(%arg0: i32, %arg1: i32) -> (i32, i32) {
    %c0_i32 = arith.constant 0 : i32
    %c0_i32_0 = arith.constant 0 : i32
    %c0_i32_1 = arith.constant 0 : i32
    return %c0_i32, %c0_i32_0 : i32, i32
  }
  func.func @transform_10(%arg0: i32, %arg1: i32) -> (i32, i32) {
    %c0_i32 = arith.constant 0 : i32
    %c0_i32_0 = arith.constant 0 : i32
    %c0_i32_1 = arith.constant 0 : i32
    return %c0_i32, %c0_i32_0 : i32, i32
  }
  func.func @transform_11(%arg0: i32, %arg1: i32) -> (i32, i32) {
    %c0_i32 = arith.constant 0 : i32
    %c0_i32_0 = arith.constant 0 : i32
    %c0_i32_1 = arith.constant 0 : i32
    return %c0_i32, %c0_i32_0 : i32, i32
  }
  func.func @transform_12(%arg0: i32, %arg1: i32) -> (i32, i32, i32) {
    %c0_i32 = arith.constant 0 : i32
    %c0_i32_0 = arith.constant 0 : i32
    return %arg0, %arg1, %c0_i32 : i32, i32, i32
  }
}

</mosaic_0001>

<sc_bundles>
// kernel: kernel.5.cloned.1.call-start
scs
__scs_entry_jumppad:
0x0: {  	(pc) =	sbr.rel $0x88, $3  }
0x1: {  	(tag) =	ssettag $0x0;
	lr =	simm.s32 $0x1  }
0x2: {  	[smem:$0x3F93] =	sst lr;
	_ =	strace $0xD0000000  }
0x3: {  	_ = 	snop  }
0x4: {  	_ = 	snop  }
0x5: {  	_ = 	snop  }
0x6: {  	_ = 	snop  }
0x7: {  	_ = 	snop  }
__scs_overlays_trampoline_lowered:
0x8: {  	[smem:$0x3FA2] =	sst s0  }
0x9: {  	[smem:$0x3FA3] =	sst s1  }
0xa: {  	[smem:$0x3FA4] =	sst s2  }
0xb: {  	[smem:$0x3FA5] =	sst s3  }
0xc: {  	[smem:$0x3FA6] =	sst s4  }
0xd: {  	[smem:$0x3FA7] =	sst s5  }
0xe: {  	[smem:$0x3FA8] =	sst s6  }
0xf: {  	[smem:$0x3FA9] =	sst s7  }
0x10: {  	[smem:$0x3FAA] =	sst s8  }
0x11: {  	[smem:$0x3FAB] =	sst s9;
	s0 =	simm.s32 @!p0 $0x0  }
0x12: {  	s1 =	sld [smem:$0x3F91];
	s0 =	simm.s32 @p0 $0x1  }
0x13: {  	[smem:$0x3FAC] =	sst s0;
	s0 =	simm.s32 @!p1 $0x0  }
0x14: {  	s2 =	sld [smem:$0x3F90];
	s0 =	simm.s32 @p1 $0x1  }
0x15: {  	[smem:$0x3FAD] =	sst s0;
	s0 =	simm.s32 @!p2 $0x0  }
0x16: {  	s3 =	sld [smem:$0x3FDB];
	s0 =	simm.s32 @p2 $0x1  }
0x17: {  	s4 =	simm.s32 $0x1BF5;
	[smem:$0x3FAF] =	sst s0  }
0x18: {  	s0 =	sld [smem:$0x3F92];
	_ =	swait.ge [sflag:s4], $0x0  }
0x19: {  	s7 =	sld [smem:$0x3F93]  }
0x1a: {  	s8 =	sadd.s32 $0xFFFFE003, lr  }
0x1b: {  	s9 =	sadd.s32 $0xFFFFFEF7, lr;
	s5 =	simm.s32 $0xFFFFFFFF;
	p2 =	slt.u32 s8, $0xFFFFF086  }
0x1c: {  	p1 =	slt.u32 s9, $0xF7A;
	s5 =	simm.s32 @!p2 $0x0  }
0x1d: {  	s5 =	simm.s32 @p1 $0x1;
	p0 =	seq.s32 s7, s2  }
0x1e: {  	s7 =	smul.u32 @!p0 $0xF7A, s2;
	p2 =	seq.s32 @!p0 s5, $0x0  }
0x1f: {  	s9 =	smul.u32 $0xF7A, s1;
	s8 =	simm.s32 @!p0 $0x1BF5;
	p2 =	por !p2, p0  }
0x20: {  	[sflag:s8] =	ssyncset.s32 @!p0 $0xFFFFF086;
	s6 =	sadd.s32 @!p0 s3, s7;
	s7 =	simm.s32 @!p0 $0x108  }
0x21: {  	s3 =	sadd.s32 s3, s9;
	s6 =	sadd.s32 @!p0 $0x88, s6;
	s7 =	simm.s32 @p2 $0x1082  }
0x22: {  	[simem:s7], [sflag:s8] =	dma.local @!p0 [hbm:s6], $0xF7A  }
0x23: {  	s9 =	sor.u32 $0xD0000000, s2;
	s6 =	simm.s32 $0x108;
	_ =	swait.ge @!p0 [sflag:s8], $0x0  }
0x24: {  	s3 =	sadd.s32 $0x88, s3;
	s6 =	simm.s32 @!p1 $0x1082;
	[sflag:s4] =	ssyncset.s32 $0xFFFFF086  }
0x25: {  	[simem:s6], [sflag:s4] =	dma.local [hbm:s3], $0xF7A  }
0x26: {  	[smem:$0x3F93] =	sst s1;
	(tag) =	ssettag s2;
	_ =	strace s9  }
0x27: {  	s1 =	sld [smem:$0x3FA3]  }
0x28: {  	s2 =	sld [smem:$0x3FA4]  }
0x29: {  	s4 =	sld [smem:$0x3FA6]  }
0x2a: {  	p0 =	seq.s32 s5, $0x0;
	s5 =	sld [smem:$0x3FA7]  }
0x2b: {  	s6 =	sld [smem:$0x3FA8]  }
0x2c: {  	s7 =	sld [smem:$0x3FA9]  }
0x2d: {  	s3 =	simm.s32 $0x108;
	s8 =	sld [smem:$0x3FAA]  }
0x2e: {  	s3 =	simm.s32 @!p0 $0x1082;
	s9 =	sld [smem:$0x3FAB]  }
0x2f: {  	lr =	sadd.s32 s0, s3;
	s0 =	sld [smem:$0x3FA2]  }
0x30: {  	s3 =	sld [smem:$0x3FA5]  }
0x31: {  	[smem:$0x3FAE] =	sst s10  }
0x32: {  	s10 =	sld [smem:$0x3FAC];
	_ =	sdelay $0x3  }
0x33: {  	p0 =	seq.s32 s10, $0x1;
	s10 =	sld [smem:$0x3FAE];
	_ =	sdelay $0x3  }
0x34: {  	[smem:$0x3FAE] =	sst s10  }
0x35: {  	s10 =	sld [smem:$0x3FAD];
	_ =	sdelay $0x3  }
0x36: {  	p1 =	seq.s32 s10, $0x1;
	s10 =	sld [smem:$0x3FAE];
	_ =	sdelay $0x3  }
0x37: {  	[smem:$0x3FAE] =	sst s10  }
0x38: {  	s10 =	sld [smem:$0x3FAF]  }
0x39: {  	_ = 	snop;
	(pc) =	sbr.ind lr, $3  }
0x3a: {  	_ = 	snop  }
0x3b: {  	_ = 	snop  }
0x3c: {  	p2 =	seq.s32 s10, $0x1;
	s10 =	sld [smem:$0x3FAE]  }
0x3d: {  	_ =	shalt  }
0x3e: {  	_ =	shalt  }
0x3f: {  	_ =	shalt  }
0x40: {  	_ =	shalt  }
0x41: {  	_ =	shalt  }
0x42: {  	_ =	shalt  }
0x43: {  	_ =	shalt  }
0x44: {  	_ =	shalt  }
0x45: {  	_ =	shalt  }
0x46: {  	_ =	shalt  }
0x47: {  	_ =	shalt  }
0x48: {  	_ =	shalt  }
0x49: {  	_ =	shalt  }
0x4a: {  	_ =	shalt  }
0x4b: {  	_ =	shalt  }
0x4c: {  	_ =	shalt  }
0x4d: {  	_ =	shalt  }
0x4e: {  	_ =	shalt  }
0x4f: {  	_ =	shalt  }
0x50: {  	_ =	shalt  }
0x51: {  	_ =	shalt  }
0x52: {  	_ =	shalt  }
0x53: {  	_ =	shalt  }
0x54: {  	_ =	shalt  }
0x55: {  	_ =	shalt  }
0x56: {  	_ =	shalt  }
0x57: {  	_ =	shalt  }
0x58: {  	_ =	shalt  }
0x59: {  	_ =	shalt  }
0x5a: {  	_ =	shalt  }
0x5b: {  	_ =	shalt  }
0x5c: {  	_ =	shalt  }
0x5d: {  	_ =	shalt  }
0x5e: {  	_ =	shalt  }
0x5f: {  	_ =	shalt  }
0x60: {  	_ =	shalt  }
0x61: {  	_ =	shalt  }
0x62: {  	_ =	shalt  }
0x63: {  	_ =	shalt  }
0x64: {  	_ =	shalt  }
0x65: {  	_ =	shalt  }
0x66: {  	_ =	shalt  }
0x67: {  	_ =	shalt  }
0x68: {  	_ =	shalt  }
0x69: {  	_ =	shalt  }
0x6a: {  	_ =	shalt  }
0x6b: {  	_ =	shalt  }
0x6c: {  	_ =	shalt  }
0x6d: {  	_ =	shalt  }
0x6e: {  	_ =	shalt  }
0x6f: {  	_ =	shalt  }
0x70: {  	_ =	shalt  }
0x71: {  	_ =	shalt  }
0x72: {  	_ =	shalt  }
0x73: {  	_ =	shalt  }
0x74: {  	_ =	shalt  }
0x75: {  	_ =	shalt  }
0x76: {  	_ =	shalt  }
0x77: {  	_ =	shalt  }
0x78: {  	_ =	shalt  }
0x79: {  	_ =	shalt  }
0x7a: {  	_ =	shalt  }
0x7b: {  	_ =	shalt  }
0x7c: {  	_ =	shalt  }
0x7d: {  	_ =	shalt  }
0x7e: {  	_ =	shalt  }
0x7f: {  	_ =	shalt  }
0x80: {  	_ =	shalt  }
0x81: {  	_ =	shalt  }
0x82: {  	_ =	shalt  }
0x83: {  	_ =	shalt  }
0x84: {  	_ =	shalt  }
0x85: {  	_ =	shalt  }
0x86: {  	_ =	shalt  }
0x87: {  	_ =	shalt  }
.Lfunc_end0:
.L_simem_size_0:
called_computation_lowered:
.L_overlay_start_0:
0x88: {  	s2 =	sld [smem:$0x3FD9]  }
0x89: {  	s3 =	sld [smem:$0x3FFE];
	_ =	sdelay $0x1  }
0x8a: {  	s1 =	srdreg.scid  }
0x8b: {  	s0 =	sand.u32 $0x1, s1  }
0x8c: {  	s17 =	sshll.u32 s0, $0xA;
	s2 =	sadd.s32 s3, s2  }
0x8d: {  	s2 =	sadd.s32 s2, s17  }
0x8e: {  	[smem:$0x3FBA] =	sst s2  }
0x8f: {  	_ = 	snop  }
0x90: {  	s2 =	sld [smem:$0x3FD0];
	(tm) =	ssettm $0x1  }
0x91: {  	s18 =	sld [smem:$0x3FFB];
	_ =	sdelay $0x3  }
0x92: {  	_ =	strace s18  }
0x93: {  	s3 =	sld [smem:$0x3FFC];
	_ =	sdelay $0x3  }
0x94: {  	_ =	strace s3  }
0x95: {  	s3 =	sld [smem:$0x3FFD];
	_ =	sdelay $0x3  }
0x96: {  	_ =	strace s3  }
0x97: {  	_ =	strace $0x8FFFFFFF  }
0x98: {  	s19 =	sld [smem:$0x3FDB];
	_ =	sdelay $0x1  }
0x99: {  	s4 =	simm.s32 $_scs_section_size  }
0x9a: {  	s5 =	simm.s32 $_size__tile_overlayer_lowered;
	s6 =	simm.s32 $_tile_overlayer_lowered  }
0x9b: {  	s22 =	simm.s32 $0x1BFF;
	s21 =	sshll.u32 s6, $0x1;
	s3 =	sadd.s32 s4, s19  }
0x9c: {  	s7 =	simm.s32 $0x0;
	s20 =	sshll.u32 s5, $0x1;
	s5 =	sadd.s32 s21, s3  }
0x9d: {  	[timem:s7], [sflag:s22] =	dma.local [hbm:s5], s20  }
0x9e: {  	_ =	swait.ge [sflag:s22], s20  }
0x9f: {  	s4 =	ssub.s32 $0x0, s20;
	[sflag:s22] =	ssyncset.done $0x0  }
0xa0: {  	[sflag:s22] =	ssyncadd.s32 s4;
	_ =	sdelay $0x1  }
0xa1: {  	s23 =	simm.s32 $0x1B8B  }
0xa2: {  	_ =	swait.ge [sflag:s23], $0x1  }
0xa3: {  	[sflag:s23] =	ssyncset.done $0x0  }
0xa4: {  	s25 =	simm.s32 $0x1B8E;
	s24 =	sld [smem:$0x3FFE];
	[sflag:s23] =	ssyncadd.s32 $0xFFFFFFFF  }
0xa5: {  	s26 =	simm.s32 $execute0_lowered;
	[smem:$0x3FD2] =	sst s25  }
0xa6: {  	s5 =	sshll.u32 s26, $0x1;
	_ =	strace $0x80000046;
	[dreg:$0x1] =	wrdreg $0xFFFFFFFF  }
0xa7: {  	s28 =	simm.s32 $_size_execute0_lowered;
	s3 =	sadd.s32 s3, s5;
	[dreg:$0x0] =	wrdreg $0x0  }
0xa8: {  	s5 =	sshll.u32 s28, $0x1;
	[dreg:$0x2] =	wrdreg s3  }
0xa9: {  	[dreg:$0x3] =	wrdreg s5  }
0xaa: {  	[dreg:$0x4] =	wrdreg $0xC0  }
0xab: {  	_ =	task [dreg:s7], $0x5FFFF  }
0xac: {  	[dreg:$0x1] =	wrdreg $0xFFFFFFFF  }
0xad: {  	[dreg:$0x0] =	wrdreg $0x60  }
0xae: {  	[dreg:$0x2] =	wrdreg s2  }
0xaf: {  	[dreg:$0x3] =	wrdreg s24  }
0xb0: {  	[dreg:$0x4] =	wrdreg $0x9  }
0xb1: {  	_ =	task.clear_ibuf [dreg:s7], $0x5FFFF;
	_ =	strace $0x90000046  }
0xb2: {  	s29 =	simm.s32 $0x9;
	_ =	strace $0x80000048  }
0xb3: {  	_ =	swait.ge [sflag:s29], $0x1  }
0xb4: {  	[sflag:s29] =	ssyncadd.s32 $0xFFFFFFFF  }
0xb5: {  	_ =	strace $0x90000048  }
0xb6: {  	_ =	sfence  }
0xb7: {  	s30 =	sld [smem:$0x0];
	_ =	sdelay $0x2  }
0xb8: {  	s31 =	sshll.u32 s1, $0xD;
	s1 =	sshrl.u32 s1, $0x2  }
0xb9: {  	s3 =	sand.u32 $0x4000, s31;
	s1 =	sadd.s32 s1, s30  }
0xba: {  	s0 =	sor.u32 s3, s0;
	s1 =	sshll.u32 s1, $0x11  }
0xbb: {  	s0 =	sor.u32 s1, s0  }
0xbc: {  	s0 =	sadd.s32 $0x8F2B, s0  }
0xbd: {  	[sflag:s0] =	ssyncadd.remote.s32 $0x1  }
0xbe: {  	_ =	sfence.sel $0xFFFF  }
0xbf: {  	[dreg:$0x0] =	wrdreg $0xFFFFFFFF;
	(pc) =	sbr.abs _section_cstart, $3  }
0xc0: {  	[dreg:$0x1] =	wrdreg $0xFFFFFFFF  }
0xc1: {  	_ =	task.clear_ibuf [dreg:s7], $0x2FFFF;
	_ =	strace $0x9FFFFFFF  }
0xc2: {  	(tm) =	ssettm $0x7FFFFFFF  }
0xc3: {  	_ =	shalt  }
tec
execute0_lowered:
.L_overlay_start_1:
0x0: {  	(tag) =	ssettag $0x1  }
0x1: {  	s2 =	rddreg [dreg:$0x0]  }
0x2: {  	s4 =	rddreg [dreg:$0x1]  }
0x3: {  	s0 =	rddreg [dreg:$0x2];
	s5 =	srdreg.scid  }
0x4: {  	s1 =	stileid.u32;
	s3 =	simm.s32 $0x0;
	s10 =	simm.s32 $0x1  }
0x5: {  	s11 =	simm.s32 $0x2;
	s5 =	sand.u32 $0x1, s5;
	s6 =	smul.u32 $0x271000, s1  }
0x6: {  	s12 =	simm.s32 $0x0;
	[smem:$0x7FF] =	sst s3;
	s7 =	smul.u32 $0x138800, s5  }
0x7: {  	s8 =	sshll.u32 s1, $0xC;
	_ =	strace $0x80000047;
	s9 =	sshll.u32 s5, $0xB  }
.Ltmp0:
0x8: {  	s5 =	ssub.s32 $0x2, s5;
	s30 =	sor.u32 s9, s8;
	(pc) =	sbr.rel .LBB2_1-.Ltmp0, $4  }
0x9: {  	s31 =	sshrl.u32 s5, $0x1;
	s8 =	simm.s32 $0x50;
	s6 =	sadd.s32 s7, s6  }
0xa: {  	s9 =	simm.s32 $0x100;
	s5 =	ssub.s32 s5, s31;
	s6 =	sshrl.u32 s6, $0x3  }
0xb: {  	s7 =	sadd.s32 s30, s4;
	s5 =	smax.u32 s5, $0x1;
	s6 =	sadd.s32 s6, s4  }
0xc: {  	s4 =	sadd.s32 $0x1E00, s7;
	s7 =	simm.s32 $0x3;
	s6 =	sadd.s32 $0x11E00, s6  }
.LBB2_7:
0xd: {  	s12 =	sadd.s32 $0x1, s12  }
0xe: {  	_ =	swait.ge [sflag:s11], $0x2800;
	p0 =	sne.s32 s12, s5  }
.Ltmp1:
0xf: {  	[sflag:s11] =	ssyncset.done $0x0;
	(pc) =	sbr.rel @!p0 .LBB2_8-.Ltmp1, $4  }
0x10: {  	[sflag:s11] =	ssyncadd.s32 $0xFFFFD800  }
0x11: {  	_ =	swait.ge [sflag:s11], $0x2800  }
0x12: {  	[sflag:s11] =	ssyncset.done $0x0  }
0x13: {  	[sflag:s11] =	ssyncadd.s32 $0xFFFFD800  }
.LBB2_1:
0x14: {  	[tilespmem:s3], [sflag:$0x3] =	stream.linear.gather [hbm4b:s4+s3], $0x80, $0x38;
	[tilespmem:$0x5100] =	vst v63  }
.Ltmp2:
0x15: {  	_ = 	snop;
	(pc) =	sbr.rel .LBB2_2-.Ltmp2, $4  }
0x16: {  	_ =	swait.ge [sflag:s7], $0x80  }
0x17: {  	s13 =	simm.s32 $0x10;
	[sflag:s7] =	ssyncset.done $0x0  }
0x18: {  	s14 =	simm.s32 $0x1;
	s15 =	smov.u32 s6;
	[sflag:s7] =	ssyncadd.s32 $0xFFFFFF80  }
0x19: {  	[tilespmem:s9], [sflag:$0x1] =	stream.indirect.gather [hbm4b:s2+s8], $0x80, s3, s8, $0xb8;
	[tilespmem:$0x5100] =	vst v63  }
.LBB2_5:
0x1a: {  	s17 =	sand.u32 $0xF80, s13  }
0x1b: {  	s18 =	sand.u32 $0x1, s14;
	s19 =	sand.u32 $0x70, s13;
	s17 =	sadd.s32 s17, s4  }
0x1c: {  	s20 =	sshll.u32 s18, $0x7;
	s31 =	smul.u32 $0xA000, s18;
	s17 =	sadd.s32 s19, s17  }
0x1d: {  	[tilespmem:s20], [sflag:$0x3] =	stream.linear.gather [hbm4b:s17+s3], $0x80, $0x38;
	[tilespmem:$0x5100] =	vst v63  }
0x1e: {  	_ =	swait.ge [sflag:s7], $0x80  }
0x1f: {  	s17 =	sshrl.u32 s31, $0x2;
	[sflag:s7] =	ssyncset.done $0x0  }
0x20: {  	s17 =	sor.u32 $0x100, s17;
	[sflag:s7] =	ssyncadd.s32 $0xFFFFFF80  }
0x21: {  	[tilespmem:s17], [sflag:$0x1] =	stream.indirect.gather [hbm4b:s2+s8], $0x80, s20, s8, $0xb8;
	[tilespmem:$0x5100] =	vst v63  }
.LBB2_6:
0x22: {  	s16 =	sand.u32 $0x1, s16  }
0x23: {  	s14 =	sadd.s32 $0x1, s14;
	p0 =	seq.s32 s16, $0x1;
	s16 =	simm.s32 $0x2900  }
0x24: {  	s16 =	simm.s32 @!p0 $0x100;
	p0 =	sne.s32 s14, $0x7E  }
.Ltmp3:
0x25: {  	_ =	swait.ge [sflag:s10], $0x2800;
	(pc) =	sbr.rel @!p0 .LBB2_7-.Ltmp3, $4  }
0x26: {  	[sflag:s10] =	ssyncset.done $0x0  }
0x27: {  	[sflag:s10] =	ssyncadd.s32 $0xFFFFD800  }
0x28: {  	[hbm4b:s15+s3] =	stream.linear.scatter [tilespmem:s16], [sflag:$0x2], $0x2800, $0x38;
	[tilespmem:$0x5100] =	vst v63  }
0x29: {  	s13 =	sadd.s32 $0x10, s13;
	s15 =	sadd.s32 $0x500, s15  }
.LBB2_2:
0x2a: {  	s16 =	sadd.s32 $0xFFFFFFFF, s14  }
0x2b: {  	p0 =	seq.s32 s16, $0x0  }
.Ltmp4:
0x2c: {  	_ = 	snop;
	(pc) =	sbr.rel @p0 .LBB2_5-.Ltmp4, $1  }
0x2d: {  	_ =	sdelay $0x3  }
0x2e: {  	p0 =	seq.s32 s16, $0x7C  }
.Ltmp5:
0x2f: {  	_ = 	snop;
	(pc) =	sbr.rel @p0 .LBB2_6-.Ltmp5, $1  }
0x30: {  	_ =	sdelay $0x3  }
.Ltmp6:
0x31: {  	(pc) =	sbr.rel .LBB2_5-.Ltmp6, $4  }
0x32: {  	_ = 	snop  }
0x33: {  	_ =	swait.ge [sflag:s11], $0x2800  }
0x34: {  	[sflag:s11] =	ssyncset.done $0x0  }
0x35: {  	[sflag:s11] =	ssyncadd.s32 $0xFFFFD800  }
.LBB2_8:
0x36: {  	_ =	sfence.sel $0x180000  }
0x37: {  	[bflag:$0x0] =	sbarrier.arrive $0xFFFF  }
0x38: {  	p0 =	sne.s32 s1, $0x0;
	_ =	strace $0x90000047  }
0x39: {  	s0 =	sadd.s32 @!p0 $0x100000, s0;
	[bflag:$0x2] =	sbarrier.arrive $0xFFFF  }
0x3a: {  	[sflag:s0] =	ssyncadd.tile.s32 @!p0 $0x1;
	_ =	shalt  }
.Lfunc_end2:
_tile_overlayer_lowered:
.L_overlay_start_2:
0x3b: {  	(tag) =	ssettag $0x2  }
0x3c: {  	s0 =	rddreg [dreg:$0x0];
	s2 =	stileid.u32  }
0x3d: {  	s1 =	rddreg [dreg:$0x1];
	p0 =	sne.s32 s2, $0x0  }
0x3e: {  	s3 =	rddreg [dreg:$0x2];
	[bflag:$0x3] =	sbarrier.arrive $0xFFFF;
	s2 =	simm.s32 @!p0 $0x1C03  }
0x3f: {  	[timem:s3], [sflag:s2] =	dma.local @!p0 [hbm:s0], s1  }
0x40: {  	s0 =	simm.s32 @!p0 $0x3  }
0x41: {  	_ =	swait.ge @!p0 [sflag:s0], s1  }
0x42: {  	s1 =	ssub.s32 @!p0 $0x0, s1;
	[sflag:s0] =	ssyncset.done @!p0 $0x0  }
0x43: {  	[sflag:s0] =	ssyncadd.s32 @!p0 s1  }
0x44: {  	[bflag:$0x3] =	sbarrier.arrive $0xFFFF  }
0x45: {  	_ =	shalt  }

</sc_bundles>
